<compile_context>
chip_gen: v7x
topology: tpu7x:2x2x1
jax: 0.10.2.dev20260603
libtpu: 0.0.44.dev20260713+nightly
codegen_flags: <defaults>
</compile_context>

<pallas_src>
import functools

import jax
import jax.numpy as jnp
from jax import lax
from jax.experimental import pallas as pl
from jax.experimental.pallas import tpu as pltpu
from jax.experimental.pallas import tpu_sc as plsc

_NV = 8192
_D = 256
_BLK = 4096
_NBLK = _NV // _BLK


def _scan_kernel(a_ref, zs_ref, w_ref, idx_ref, best_ref, bidx_ref):
    step = pl.program_id(0)

    @pl.when(step == 0)
    def _init():
        best_ref[0, 0] = jnp.float32(jnp.inf)
        bidx_ref[0, 0] = jnp.int32(0)

    w = w_ref[...]
    zs = zs_ref[...]
    a = a_ref[0, 0]

    wb = w.astype(jnp.bfloat16)
    m3 = lax.dot_general(zs, wb, (((1,), (1,)), ((), ())),
                         preferred_element_type=jnp.float32)
    m = (m3[0:1, :] + m3[1:2, :]) + m3[2:3, :]
    ones = jnp.ones((1, _D), jnp.bfloat16)
    sq = wb * wb
    b = lax.dot_general(ones, sq, (((1,), (1,)), ((), ())),
                        preferred_element_type=jnp.float32)
    d = (a + b) - 2.0 * m

    lmin = jnp.min(d)
    larg = jnp.argmin(d).astype(jnp.int32)

    @pl.when(lmin < best_ref[0, 0])
    def _update():
        best_ref[0, 0] = lmin
        bidx_ref[0, 0] = step * _BLK + larg

    @pl.when(step == _NBLK - 1)
    def _final():
        idx_ref[0, 0] = bidx_ref[0, 0]


def _lookup_body(i_hbm, z_hbm, w1_hbm, zq_o, loss_o,
                 iv, zv, rowv, zqv, vb):
    c = lax.axis_index("c")
    s = lax.axis_index("s")

    @pl.when((c == 0) & (s == 0))
    def _go():
        pltpu.sync_copy(i_hbm, iv)
        widx = iv[...][0]
        pltpu.sync_copy(z_hbm, zv)
        pltpu.sync_copy(w1_hbm.at[pl.ds(widx * _D, _D)], rowv)

        sacc = jnp.zeros((16,), jnp.float32)
        for k in range(16):
            rk = rowv[pl.ds(16 * k, 16)]
            zk = zv[pl.ds(16 * k, 16)]
            diff = rk - zk
            zqv[pl.ds(16 * k, 16)] = zk + diff
            sacc = sacc + diff * diff
        ssum = jnp.sum(sacc)
        loss = (ssum * jnp.float32(0.00390625)
                - ssum * jnp.float32(0.0009765625))

        pltpu.sync_copy(zqv, zq_o)
        vb[...] = jnp.full((16,), loss, jnp.float32)
        pltpu.sync_copy(vb, loss_o)


_LOOKUP_CALL = functools.partial(
    pl.kernel,
    out_type=[
        jax.ShapeDtypeStruct((_D,), jnp.float32),
        jax.ShapeDtypeStruct((16,), jnp.float32),
    ],
    mesh=plsc.VectorSubcoreMesh(core_axis_name="c", subcore_axis_name="s"),
    compiler_params=pltpu.CompilerParams(needs_layout_passes=False),
    scratch_types=[
        pltpu.VMEM((16,), jnp.int32),
        pltpu.VMEM((_D,), jnp.float32),
        pltpu.VMEM((_D,), jnp.float32),
        pltpu.VMEM((_D,), jnp.float32),
        pltpu.VMEM((16,), jnp.float32),
    ],
)


def kernel(z, embedding_weight):
    latent_dim = embedding_weight.shape[1]
    z_flatten = jnp.transpose(z, (0, 2, 3, 1)).reshape(-1, latent_dim)
    a = jnp.sum(z_flatten ** 2, axis=-1, keepdims=True)
    zh = z_flatten.astype(jnp.bfloat16)
    r1 = z_flatten - zh.astype(jnp.float32)
    zl = r1.astype(jnp.bfloat16)
    zl2 = (r1 - zl.astype(jnp.float32)).astype(jnp.bfloat16)
    zs = jnp.concatenate([zh, zl, zl2], axis=0)

    idx = pl.pallas_call(
        _scan_kernel,
        grid=(_NBLK,),
        in_specs=[
            pl.BlockSpec(memory_space=pltpu.SMEM),
            pl.BlockSpec((3, _D), lambda i: (0, 0)),
            pl.BlockSpec((_BLK, _D), lambda i: (i, 0)),
        ],
        out_specs=pl.BlockSpec(memory_space=pltpu.SMEM),
        out_shape=jax.ShapeDtypeStruct((1, 1), jnp.int32),
        scratch_shapes=[
            pltpu.SMEM((1, 1), jnp.float32),
            pltpu.SMEM((1, 1), jnp.int32),
        ],
    )(a, zs, embedding_weight)

    i16 = jnp.broadcast_to(idx.reshape(()), (16,))
    zf = z_flatten.reshape(latent_dim)
    w1 = embedding_weight.reshape(_NV * _D)

    zq_row, loss16 = _LOOKUP_CALL(_lookup_body)(i16, zf, w1)

    zq = zq_row.reshape(1, 1, latent_dim, 1)
    return (zq, idx.reshape(()), loss16[0])

# --- scband reference (transcript-rebuilt; emitter-appended) ---
"""Pipeline reference for scband-codebook-63969242907155 (READ-ONLY COPY).

The authoritative reference and input builder live on the scoring server;
editing this copy changes nothing except your own understanding.
"""

import jax, jax.numpy as jnp
import numpy as np

NUM_VECTORS = 8192
LATENT_DIM = 256
BETA = 0.25

def setup_inputs(seed: int = 0) -> dict:
    key = jax.random.key(seed)
    k1, k2 = jax.random.split(key)
    z = jax.random.normal(k1, (1, LATENT_DIM, 1, 1), dtype=jnp.float32)
    embedding_weight = jax.random.uniform(
        k2, (NUM_VECTORS, LATENT_DIM), dtype=jnp.float32,
        minval=-1.0 / NUM_VECTORS, maxval=1.0 / NUM_VECTORS)
    return {"z": z, "embedding_weight": embedding_weight}

def reference(z, embedding_weight):
    latent_dim = embedding_weight.shape[1]
    # z.permute(0,2,3,1).view(-1, latent_dim)
    z_flatten = jnp.transpose(z, (0, 2, 3, 1)).reshape(-1, latent_dim)
    e_distances = (jnp.sum(z_flatten ** 2, axis=-1, keepdims=True)
                   + jnp.sum(embedding_weight ** 2, axis=-1)
                   - 2.0 * jnp.matmul(z_flatten, embedding_weight.T))
    # torch.argmin on a 2D tensor without dim flattens -> global scalar index
    dist_indices = jnp.argmin(e_distances)
    # embedding lookup of a scalar index -> [latent_dim], reshaped to z.shape
    zq = jnp.take(embedding_weight, dist_indices, axis=0).reshape(z.shape)
    loss = (jnp.mean((zq - jax.lax.stop_gradient(z)) ** 2)
            - BETA * jnp.mean((z - jax.lax.stop_gradient(zq)) ** 2))
    zq = z + jax.lax.stop_gradient(zq - z)
    zq = jnp.transpose(zq, (0, 3, 1, 2))
    return (zq, dist_indices, loss)

if __name__ == "__main__":
    import jax
    _d = setup_inputs()
    print(jax.jit(kernel)(*tuple(_d.values())))

</pallas_src>

<mosaic_0001>
#map = affine_map<(d0, d1) -> (0)>
module attributes {stable_mosaic.version = 14 : i64} {
  func.func @_lookup_body(%arg0: i32, %arg1: i32, %arg2: memref<16xi32, #tpu.memory_space<hbm>>, %arg3: memref<256xf32, #tpu.memory_space<hbm>>, %arg4: memref<2097152xf32, #tpu.memory_space<hbm>>, %arg5: memref<256xf32, #tpu.memory_space<hbm>>, %arg6: memref<16xf32, #tpu.memory_space<hbm>>, %arg7: memref<16xi32, #tpu.memory_space<vmem>>, %arg8: memref<256xf32, #tpu.memory_space<vmem>>, %arg9: memref<256xf32, #tpu.memory_space<vmem>>, %arg10: memref<256xf32, #tpu.memory_space<vmem>>, %arg11: memref<16xf32, #tpu.memory_space<vmem>>) attributes {dimension_semantics = [#tpu.dimension_semantics<core_parallel>, #tpu.dimension_semantics<subcore_parallel>], iteration_bounds = array<i64: 2, 16>, scalar_prefetch = 0 : i64, scratch_operands = 5 : i64, tpu.core_type = #tpu.core_type<sc_vector_subcore>, window_params = [{transform_indices = #map}, {transform_indices = #map}, {transform_indices = #map}, {transform_indices = #map}, {transform_indices = #map}]} {
    %eq3A = arith.constant 0 : i32
    %eq3A_0 = arith.cmpi eq, %arg0, %eq3A : i32
    %eq3A_1 = arith.constant 0 : i32
    %eq3A_2 = arith.cmpi eq, %arg1, %eq3A_1 : i32
    %and3A = arith.andi %eq3A_0, %eq3A_2 : i1
    %convert_element_type3A = arith.extui %and3A : i1 to i32
    %cond3A = arith.constant 0 : i32
    %cond3A_3 = arith.cmpi ne, %convert_element_type3A, %cond3A : i32
    scf.if %cond3A_3 {
      "tpu.region"() ({
        %run_scoped3A = tpu.sem_alloc : memref<!tpu.dma_semaphore, #tpu.memory_space<semaphore_mem>>
        tpu.enqueue_dma source(%arg2 : memref<16xi32, #tpu.memory_space<hbm>>) target(%arg7 : memref<16xi32, #tpu.memory_space<vmem>>) target_semaphore(%run_scoped3A : memref<!tpu.dma_semaphore, #tpu.memory_space<semaphore_mem>>)
        tpu.wait_dma2 semaphore(%run_scoped3A : memref<!tpu.dma_semaphore, #tpu.memory_space<semaphore_mem>>) src(%arg2 : memref<16xi32, #tpu.memory_space<hbm>>) dst(%arg7 : memref<16xi32, #tpu.memory_space<vmem>>)
        tpu.yield
      }) : () -> ()
      %get3A = arith.constant 0 : index
      %get3A_4 = tpu.vector_load %arg7[%get3A] {strides = array<i32>} : memref<16xi32, #tpu.memory_space<vmem>>, vector<16xi32>,
      %slice3A = vector.extract_strided_slice %get3A_4 {offsets = [0], sizes = [1], strides = [1]} : vector<16xi32> to vector<1xi32>
      %squeeze3A = vector.extract %slice3A[0] : i32 from vector<1xi32>
      "tpu.region"() ({
        %run_scoped3A = tpu.sem_alloc : memref<!tpu.dma_semaphore, #tpu.memory_space<semaphore_mem>>
        tpu.enqueue_dma source(%arg3 : memref<256xf32, #tpu.memory_space<hbm>>) target(%arg8 : memref<256xf32, #tpu.memory_space<vmem>>) target_semaphore(%run_scoped3A : memref<!tpu.dma_semaphore, #tpu.memory_space<semaphore_mem>>)
        tpu.wait_dma2 semaphore(%run_scoped3A : memref<!tpu.dma_semaphore, #tpu.memory_space<semaphore_mem>>) src(%arg3 : memref<256xf32, #tpu.memory_space<hbm>>) dst(%arg8 : memref<256xf32, #tpu.memory_space<vmem>>)
        tpu.yield
      }) : () -> ()
      %mul3A = arith.constant 256 : i32
      %mul3A_5 = arith.muli %squeeze3A, %mul3A : i32
      "tpu.region"() ({
        %run_scoped3A = tpu.sem_alloc : memref<!tpu.dma_semaphore, #tpu.memory_space<semaphore_mem>>
        %dma_start3A = tpu.memref_slice %arg4[%mul3A_5] : memref<2097152xf32, #tpu.memory_space<hbm>> -> memref<256xf32, #tpu.memory_space<hbm>>
        %dma_start3A_175 = tpu.memref_slice %arg4[%mul3A_5] : memref<2097152xf32, #tpu.memory_space<hbm>> -> memref<256xf32, #tpu.memory_space<hbm>>
        tpu.enqueue_dma source(%dma_start3A_175 : memref<256xf32, #tpu.memory_space<hbm>>) target(%arg9 : memref<256xf32, #tpu.memory_space<vmem>>) target_semaphore(%run_scoped3A : memref<!tpu.dma_semaphore, #tpu.memory_space<semaphore_mem>>)
        %dma_wait3A = tpu.memref_slice %arg4[%mul3A_5] : memref<2097152xf32, #tpu.memory_space<hbm>> -> memref<256xf32, #tpu.memory_space<hbm>>
        %dma_wait3A_176 = tpu.memref_slice %arg4[%mul3A_5] : memref<2097152xf32, #tpu.memory_space<hbm>> -> memref<256xf32, #tpu.memory_space<hbm>>
        tpu.wait_dma2 semaphore(%run_scoped3A : memref<!tpu.dma_semaphore, #tpu.memory_space<semaphore_mem>>) src(%dma_wait3A_176 : memref<256xf32, #tpu.memory_space<hbm>>) dst(%arg9 : memref<256xf32, #tpu.memory_space<vmem>>)
        tpu.yield
      }) : () -> ()
      %broadcast_in_dim3A = arith.constant 0.000000e+00 : f32
      %broadcast_in_dim3A_6 = vector.broadcast %broadcast_in_dim3A : f32 to vector<16xf32>
      %get3A_7 = arith.constant 0 : index
      %get3A_8 = tpu.vector_load %arg9[%get3A_7] {strides = array<i32>} : memref<256xf32, #tpu.memory_space<vmem>>, vector<16xf32>,
      %get3A_9 = arith.constant 0 : index
      %get3A_10 = tpu.vector_load %arg8[%get3A_9] {strides = array<i32>} : memref<256xf32, #tpu.memory_space<vmem>>, vector<16xf32>,
      %sub3A = arith.subf %get3A_8, %get3A_10 : vector<16xf32>
      %add3A = arith.addf %get3A_10, %sub3A : vector<16xf32>
      %swap3A = arith.constant 0 : index
      %swap3A_11 = tpu.vector_load %arg10[%swap3A] {strides = array<i32>} : memref<256xf32, #tpu.memory_space<vmem>>, vector<16xf32>,
      tpu.vector_store %arg10[%swap3A], %add3A {strides = array<i32>} : memref<256xf32, #tpu.memory_space<vmem>>, vector<16xf32>,
      %mul3A_12 = arith.mulf %sub3A, %sub3A : vector<16xf32>
      %add3A_13 = arith.addf %broadcast_in_dim3A_6, %mul3A_12 : vector<16xf32>
      %get3A_14 = arith.constant 16 : index
      %get3A_15 = tpu.vector_load %arg9[%get3A_14] {strides = array<i32>} : memref<256xf32, #tpu.memory_space<vmem>>, vector<16xf32>,
      %get3A_16 = arith.constant 16 : index
      %get3A_17 = tpu.vector_load %arg8[%get3A_16] {strides = array<i32>} : memref<256xf32, #tpu.memory_space<vmem>>, vector<16xf32>,
      %sub3A_18 = arith.subf %get3A_15, %get3A_17 : vector<16xf32>
      %add3A_19 = arith.addf %get3A_17, %sub3A_18 : vector<16xf32>
      %swap3A_20 = arith.constant 16 : index
      %swap3A_21 = tpu.vector_load %arg10[%swap3A_20] {strides = array<i32>} : memref<256xf32, #tpu.memory_space<vmem>>, vector<16xf32>,
      tpu.vector_store %arg10[%swap3A_20], %add3A_19 {strides = array<i32>} : memref<256xf32, #tpu.memory_space<vmem>>, vector<16xf32>,
      %mul3A_22 = arith.mulf %sub3A_18, %sub3A_18 : vector<16xf32>
      %add3A_23 = arith.addf %add3A_13, %mul3A_22 : vector<16xf32>
      %get3A_24 = arith.constant 32 : index
      %get3A_25 = tpu.vector_load %arg9[%get3A_24] {strides = array<i32>} : memref<256xf32, #tpu.memory_space<vmem>>, vector<16xf32>,
      %get3A_26 = arith.constant 32 : index
      %get3A_27 = tpu.vector_load %arg8[%get3A_26] {strides = array<i32>} : memref<256xf32, #tpu.memory_space<vmem>>, vector<16xf32>,
      %sub3A_28 = arith.subf %get3A_25, %get3A_27 : vector<16xf32>
      %add3A_29 = arith.addf %get3A_27, %sub3A_28 : vector<16xf32>
      %swap3A_30 = arith.constant 32 : index
      %swap3A_31 = tpu.vector_load %arg10[%swap3A_30] {strides = array<i32>} : memref<256xf32, #tpu.memory_space<vmem>>, vector<16xf32>,
      tpu.vector_store %arg10[%swap3A_30], %add3A_29 {strides = array<i32>} : memref<256xf32, #tpu.memory_space<vmem>>, vector<16xf32>,
      %mul3A_32 = arith.mulf %sub3A_28, %sub3A_28 : vector<16xf32>
      %add3A_33 = arith.addf %add3A_23, %mul3A_32 : vector<16xf32>
      %get3A_34 = arith.constant 48 : index
      %get3A_35 = tpu.vector_load %arg9[%get3A_34] {strides = array<i32>} : memref<256xf32, #tpu.memory_space<vmem>>, vector<16xf32>,
      %get3A_36 = arith.constant 48 : index
      %get3A_37 = tpu.vector_load %arg8[%get3A_36] {strides = array<i32>} : memref<256xf32, #tpu.memory_space<vmem>>, vector<16xf32>,
      %sub3A_38 = arith.subf %get3A_35, %get3A_37 : vector<16xf32>
      %add3A_39 = arith.addf %get3A_37, %sub3A_38 : vector<16xf32>
      %swap3A_40 = arith.constant 48 : index
      %swap3A_41 = tpu.vector_load %arg10[%swap3A_40] {strides = array<i32>} : memref<256xf32, #tpu.memory_space<vmem>>, vector<16xf32>,
      tpu.vector_store %arg10[%swap3A_40], %add3A_39 {strides = array<i32>} : memref<256xf32, #tpu.memory_space<vmem>>, vector<16xf32>,
      %mul3A_42 = arith.mulf %sub3A_38, %sub3A_38 : vector<16xf32>
      %add3A_43 = arith.addf %add3A_33, %mul3A_42 : vector<16xf32>
      %get3A_44 = arith.constant 64 : index
      %get3A_45 = tpu.vector_load %arg9[%get3A_44] {strides = array<i32>} : memref<256xf32, #tpu.memory_space<vmem>>, vector<16xf32>,
      %get3A_46 = arith.constant 64 : index
      %get3A_47 = tpu.vector_load %arg8[%get3A_46] {strides = array<i32>} : memref<256xf32, #tpu.memory_space<vmem>>, vector<16xf32>,
      %sub3A_48 = arith.subf %get3A_45, %get3A_47 : vector<16xf32>
      %add3A_49 = arith.addf %get3A_47, %sub3A_48 : vector<16xf32>
      %swap3A_50 = arith.constant 64 : index
      %swap3A_51 = tpu.vector_load %arg10[%swap3A_50] {strides = array<i32>} : memref<256xf32, #tpu.memory_space<vmem>>, vector<16xf32>,
      tpu.vector_store %arg10[%swap3A_50], %add3A_49 {strides = array<i32>} : memref<256xf32, #tpu.memory_space<vmem>>, vector<16xf32>,
      %mul3A_52 = arith.mulf %sub3A_48, %sub3A_48 : vector<16xf32>
      %add3A_53 = arith.addf %add3A_43, %mul3A_52 : vector<16xf32>
      %get3A_54 = arith.constant 80 : index
      %get3A_55 = tpu.vector_load %arg9[%get3A_54] {strides = array<i32>} : memref<256xf32, #tpu.memory_space<vmem>>, vector<16xf32>,
      %get3A_56 = arith.constant 80 : index
      %get3A_57 = tpu.vector_load %arg8[%get3A_56] {strides = array<i32>} : memref<256xf32, #tpu.memory_space<vmem>>, vector<16xf32>,
      %sub3A_58 = arith.subf %get3A_55, %get3A_57 : vector<16xf32>
      %add3A_59 = arith.addf %get3A_57, %sub3A_58 : vector<16xf32>
      %swap3A_60 = arith.constant 80 : index
      %swap3A_61 = tpu.vector_load %arg10[%swap3A_60] {strides = array<i32>} : memref<256xf32, #tpu.memory_space<vmem>>, vector<16xf32>,
      tpu.vector_store %arg10[%swap3A_60], %add3A_59 {strides = array<i32>} : memref<256xf32, #tpu.memory_space<vmem>>, vector<16xf32>,
      %mul3A_62 = arith.mulf %sub3A_58, %sub3A_58 : vector<16xf32>
      %add3A_63 = arith.addf %add3A_53, %mul3A_62 : vector<16xf32>
      %get3A_64 = arith.constant 96 : index
      %get3A_65 = tpu.vector_load %arg9[%get3A_64] {strides = array<i32>} : memref<256xf32, #tpu.memory_space<vmem>>, vector<16xf32>,
      %get3A_66 = arith.constant 96 : index
      %get3A_67 = tpu.vector_load %arg8[%get3A_66] {strides = array<i32>} : memref<256xf32, #tpu.memory_space<vmem>>, vector<16xf32>,
      %sub3A_68 = arith.subf %get3A_65, %get3A_67 : vector<16xf32>
      %add3A_69 = arith.addf %get3A_67, %sub3A_68 : vector<16xf32>
      %swap3A_70 = arith.constant 96 : index
      %swap3A_71 = tpu.vector_load %arg10[%swap3A_70] {strides = array<i32>} : memref<256xf32, #tpu.memory_space<vmem>>, vector<16xf32>,
      tpu.vector_store %arg10[%swap3A_70], %add3A_69 {strides = array<i32>} : memref<256xf32, #tpu.memory_space<vmem>>, vector<16xf32>,
      %mul3A_72 = arith.mulf %sub3A_68, %sub3A_68 : vector<16xf32>
      %add3A_73 = arith.addf %add3A_63, %mul3A_72 : vector<16xf32>
      %get3A_74 = arith.constant 112 : index
      %get3A_75 = tpu.vector_load %arg9[%get3A_74] {strides = array<i32>} : memref<256xf32, #tpu.memory_space<vmem>>, vector<16xf32>,
      %get3A_76 = arith.constant 112 : index
      %get3A_77 = tpu.vector_load %arg8[%get3A_76] {strides = array<i32>} : memref<256xf32, #tpu.memory_space<vmem>>, vector<16xf32>,
      %sub3A_78 = arith.subf %get3A_75, %get3A_77 : vector<16xf32>
      %add3A_79 = arith.addf %get3A_77, %sub3A_78 : vector<16xf32>
      %swap3A_80 = arith.constant 112 : index
      %swap3A_81 = tpu.vector_load %arg10[%swap3A_80] {strides = array<i32>} : memref<256xf32, #tpu.memory_space<vmem>>, vector<16xf32>,
      tpu.vector_store %arg10[%swap3A_80], %add3A_79 {strides = array<i32>} : memref<256xf32, #tpu.memory_space<vmem>>, vector<16xf32>,
      %mul3A_82 = arith.mulf %sub3A_78, %sub3A_78 : vector<16xf32>
      %add3A_83 = arith.addf %add3A_73, %mul3A_82 : vector<16xf32>
      %get3A_84 = arith.constant 128 : index
      %get3A_85 = tpu.vector_load %arg9[%get3A_84] {strides = array<i32>} : memref<256xf32, #tpu.memory_space<vmem>>, vector<16xf32>,
      %get3A_86 = arith.constant 128 : index
      %get3A_87 = tpu.vector_load %arg8[%get3A_86] {strides = array<i32>} : memref<256xf32, #tpu.memory_space<vmem>>, vector<16xf32>,
      %sub3A_88 = arith.subf %get3A_85, %get3A_87 : vector<16xf32>
      %add3A_89 = arith.addf %get3A_87, %sub3A_88 : vector<16xf32>
      %swap3A_90 = arith.constant 128 : index
      %swap3A_91 = tpu.vector_load %arg10[%swap3A_90] {strides = array<i32>} : memref<256xf32, #tpu.memory_space<vmem>>, vector<16xf32>,
      tpu.vector_store %arg10[%swap3A_90], %add3A_89 {strides = array<i32>} : memref<256xf32, #tpu.memory_space<vmem>>, vector<16xf32>,
      %mul3A_92 = arith.mulf %sub3A_88, %sub3A_88 : vector<16xf32>
      %add3A_93 = arith.addf %add3A_83, %mul3A_92 : vector<16xf32>
      %get3A_94 = arith.constant 144 : index
      %get3A_95 = tpu.vector_load %arg9[%get3A_94] {strides = array<i32>} : memref<256xf32, #tpu.memory_space<vmem>>, vector<16xf32>,
      %get3A_96 = arith.constant 144 : index
      %get3A_97 = tpu.vector_load %arg8[%get3A_96] {strides = array<i32>} : memref<256xf32, #tpu.memory_space<vmem>>, vector<16xf32>,
      %sub3A_98 = arith.subf %get3A_95, %get3A_97 : vector<16xf32>
      %add3A_99 = arith.addf %get3A_97, %sub3A_98 : vector<16xf32>
      %swap3A_100 = arith.constant 144 : index
      %swap3A_101 = tpu.vector_load %arg10[%swap3A_100] {strides = array<i32>} : memref<256xf32, #tpu.memory_space<vmem>>, vector<16xf32>,
      tpu.vector_store %arg10[%swap3A_100], %add3A_99 {strides = array<i32>} : memref<256xf32, #tpu.memory_space<vmem>>, vector<16xf32>,
      %mul3A_102 = arith.mulf %sub3A_98, %sub3A_98 : vector<16xf32>
      %add3A_103 = arith.addf %add3A_93, %mul3A_102 : vector<16xf32>
      %get3A_104 = arith.constant 160 : index
      %get3A_105 = tpu.vector_load %arg9[%get3A_104] {strides = array<i32>} : memref<256xf32, #tpu.memory_space<vmem>>, vector<16xf32>,
      %get3A_106 = arith.constant 160 : index
      %get3A_107 = tpu.vector_load %arg8[%get3A_106] {strides = array<i32>} : memref<256xf32, #tpu.memory_space<vmem>>, vector<16xf32>,
      %sub3A_108 = arith.subf %get3A_105, %get3A_107 : vector<16xf32>
      %add3A_109 = arith.addf %get3A_107, %sub3A_108 : vector<16xf32>
      %swap3A_110 = arith.constant 160 : index
      %swap3A_111 = tpu.vector_load %arg10[%swap3A_110] {strides = array<i32>} : memref<256xf32, #tpu.memory_space<vmem>>, vector<16xf32>,
      tpu.vector_store %arg10[%swap3A_110], %add3A_109 {strides = array<i32>} : memref<256xf32, #tpu.memory_space<vmem>>, vector<16xf32>,
      %mul3A_112 = arith.mulf %sub3A_108, %sub3A_108 : vector<16xf32>
      %add3A_113 = arith.addf %add3A_103, %mul3A_112 : vector<16xf32>
      %get3A_114 = arith.constant 176 : index
      %get3A_115 = tpu.vector_load %arg9[%get3A_114] {strides = array<i32>} : memref<256xf32, #tpu.memory_space<vmem>>, vector<16xf32>,
      %get3A_116 = arith.constant 176 : index
      %get3A_117 = tpu.vector_load %arg8[%get3A_116] {strides = array<i32>} : memref<256xf32, #tpu.memory_space<vmem>>, vector<16xf32>,
      %sub3A_118 = arith.subf %get3A_115, %get3A_117 : vector<16xf32>
      %add3A_119 = arith.addf %get3A_117, %sub3A_118 : vector<16xf32>
      %swap3A_120 = arith.constant 176 : index
      %swap3A_121 = tpu.vector_load %arg10[%swap3A_120] {strides = array<i32>} : memref<256xf32, #tpu.memory_space<vmem>>, vector<16xf32>,
      tpu.vector_store %arg10[%swap3A_120], %add3A_119 {strides = array<i32>} : memref<256xf32, #tpu.memory_space<vmem>>, vector<16xf32>,
      %mul3A_122 = arith.mulf %sub3A_118, %sub3A_118 : vector<16xf32>
      %add3A_123 = arith.addf %add3A_113, %mul3A_122 : vector<16xf32>
      %get3A_124 = arith.constant 192 : index
      %get3A_125 = tpu.vector_load %arg9[%get3A_124] {strides = array<i32>} : memref<256xf32, #tpu.memory_space<vmem>>, vector<16xf32>,
      %get3A_126 = arith.constant 192 : index
      %get3A_127 = tpu.vector_load %arg8[%get3A_126] {strides = array<i32>} : memref<256xf32, #tpu.memory_space<vmem>>, vector<16xf32>,
      %sub3A_128 = arith.subf %get3A_125, %get3A_127 : vector<16xf32>
      %add3A_129 = arith.addf %get3A_127, %sub3A_128 : vector<16xf32>
      %swap3A_130 = arith.constant 192 : index
      %swap3A_131 = tpu.vector_load %arg10[%swap3A_130] {strides = array<i32>} : memref<256xf32, #tpu.memory_space<vmem>>, vector<16xf32>,
      tpu.vector_store %arg10[%swap3A_130], %add3A_129 {strides = array<i32>} : memref<256xf32, #tpu.memory_space<vmem>>, vector<16xf32>,
      %mul3A_132 = arith.mulf %sub3A_128, %sub3A_128 : vector<16xf32>
      %add3A_133 = arith.addf %add3A_123, %mul3A_132 : vector<16xf32>
      %get3A_134 = arith.constant 208 : index
      %get3A_135 = tpu.vector_load %arg9[%get3A_134] {strides = array<i32>} : memref<256xf32, #tpu.memory_space<vmem>>, vector<16xf32>,
      %get3A_136 = arith.constant 208 : index
      %get3A_137 = tpu.vector_load %arg8[%get3A_136] {strides = array<i32>} : memref<256xf32, #tpu.memory_space<vmem>>, vector<16xf32>,
      %sub3A_138 = arith.subf %get3A_135, %get3A_137 : vector<16xf32>
      %add3A_139 = arith.addf %get3A_137, %sub3A_138 : vector<16xf32>
      %swap3A_140 = arith.constant 208 : index
      %swap3A_141 = tpu.vector_load %arg10[%swap3A_140] {strides = array<i32>} : memref<256xf32, #tpu.memory_space<vmem>>, vector<16xf32>,
      tpu.vector_store %arg10[%swap3A_140], %add3A_139 {strides = array<i32>} : memref<256xf32, #tpu.memory_space<vmem>>, vector<16xf32>,
      %mul3A_142 = arith.mulf %sub3A_138, %sub3A_138 : vector<16xf32>
      %add3A_143 = arith.addf %add3A_133, %mul3A_142 : vector<16xf32>
      %get3A_144 = arith.constant 224 : index
      %get3A_145 = tpu.vector_load %arg9[%get3A_144] {strides = array<i32>} : memref<256xf32, #tpu.memory_space<vmem>>, vector<16xf32>,
      %get3A_146 = arith.constant 224 : index
      %get3A_147 = tpu.vector_load %arg8[%get3A_146] {strides = array<i32>} : memref<256xf32, #tpu.memory_space<vmem>>, vector<16xf32>,
      %sub3A_148 = arith.subf %get3A_145, %get3A_147 : vector<16xf32>
      %add3A_149 = arith.addf %get3A_147, %sub3A_148 : vector<16xf32>
      %swap3A_150 = arith.constant 224 : index
      %swap3A_151 = tpu.vector_load %arg10[%swap3A_150] {strides = array<i32>} : memref<256xf32, #tpu.memory_space<vmem>>, vector<16xf32>,
      tpu.vector_store %arg10[%swap3A_150], %add3A_149 {strides = array<i32>} : memref<256xf32, #tpu.memory_space<vmem>>, vector<16xf32>,
      %mul3A_152 = arith.mulf %sub3A_148, %sub3A_148 : vector<16xf32>
      %add3A_153 = arith.addf %add3A_143, %mul3A_152 : vector<16xf32>
      %get3A_154 = arith.constant 240 : index
      %get3A_155 = tpu.vector_load %arg9[%get3A_154] {strides = array<i32>} : memref<256xf32, #tpu.memory_space<vmem>>, vector<16xf32>,
      %get3A_156 = arith.constant 240 : index
      %get3A_157 = tpu.vector_load %arg8[%get3A_156] {strides = array<i32>} : memref<256xf32, #tpu.memory_space<vmem>>, vector<16xf32>,
      %sub3A_158 = arith.subf %get3A_155, %get3A_157 : vector<16xf32>
      %add3A_159 = arith.addf %get3A_157, %sub3A_158 : vector<16xf32>
      %swap3A_160 = arith.constant 240 : index
      %swap3A_161 = tpu.vector_load %arg10[%swap3A_160] {strides = array<i32>} : memref<256xf32, #tpu.memory_space<vmem>>, vector<16xf32>,
      tpu.vector_store %arg10[%swap3A_160], %add3A_159 {strides = array<i32>} : memref<256xf32, #tpu.memory_space<vmem>>, vector<16xf32>,
      %mul3A_162 = arith.mulf %sub3A_158, %sub3A_158 : vector<16xf32>
      %add3A_163 = arith.addf %add3A_153, %mul3A_162 : vector<16xf32>
      %reduce_sum3A = arith.constant true
      %reduce_sum3A_164 = vector.broadcast %reduce_sum3A : i1 to vector<16xi1>
      %reduce_sum3A_165 = tpu.scan <sum>, %add3A_163 masked %reduce_sum3A_164 : vector<16xf32>, vector<16xi1> -> vector<16xf32>
      %reduce_sum3A_166 = vector.extract %reduce_sum3A_165[15] : f32 from vector<16xf32>
      %mul3A_167 = arith.constant 3.906250e-03 : f32
      %mul3A_168 = arith.mulf %reduce_sum3A_166, %mul3A_167 : f32
      %mul3A_169 = arith.constant 9.765625E-4 : f32
      %mul3A_170 = arith.mulf %reduce_sum3A_166, %mul3A_169 : f32
      %sub3A_171 = arith.subf %mul3A_168, %mul3A_170 : f32
      "tpu.region"() ({
        %run_scoped3A = tpu.sem_alloc : memref<!tpu.dma_semaphore, #tpu.memory_space<semaphore_mem>>
        tpu.enqueue_dma source(%arg10 : memref<256xf32, #tpu.memory_space<vmem>>) target(%arg5 : memref<256xf32, #tpu.memory_space<hbm>>) target_semaphore(%run_scoped3A : memref<!tpu.dma_semaphore, #tpu.memory_space<semaphore_mem>>)
        tpu.wait_dma2 semaphore(%run_scoped3A : memref<!tpu.dma_semaphore, #tpu.memory_space<semaphore_mem>>) src(%arg10 : memref<256xf32, #tpu.memory_space<vmem>>) dst(%arg5 : memref<256xf32, #tpu.memory_space<hbm>>)
        tpu.yield
      }) : () -> ()
      %broadcast_in_dim3A_172 = vector.broadcast %sub3A_171 : f32 to vector<16xf32>
      %swap3A_173 = arith.constant 0 : index
      %swap3A_174 = tpu.vector_load %arg11[%swap3A_173] {strides = array<i32>} : memref<16xf32, #tpu.memory_space<vmem>>, vector<16xf32>,
      tpu.vector_store %arg11[%swap3A_173], %broadcast_in_dim3A_172 {strides = array<i32>} : memref<16xf32, #tpu.memory_space<vmem>>, vector<16xf32>,
      "tpu.region"() ({
        %run_scoped3A = tpu.sem_alloc : memref<!tpu.dma_semaphore, #tpu.memory_space<semaphore_mem>>
        tpu.enqueue_dma source(%arg11 : memref<16xf32, #tpu.memory_space<vmem>>) target(%arg6 : memref<16xf32, #tpu.memory_space<hbm>>) target_semaphore(%run_scoped3A : memref<!tpu.dma_semaphore, #tpu.memory_space<semaphore_mem>>)
        tpu.wait_dma2 semaphore(%run_scoped3A : memref<!tpu.dma_semaphore, #tpu.memory_space<semaphore_mem>>) src(%arg11 : memref<16xf32, #tpu.memory_space<vmem>>) dst(%arg6 : memref<16xf32, #tpu.memory_space<hbm>>)
        tpu.yield
      }) : () -> ()
    } else {
    }
    return
  }
}

module attributes {stable_mosaic.version = 14 : i64} {
  func.func @_scan_kernel(%arg0: i32, %arg1: memref<1x1xf32, #tpu.memory_space<smem>>, %arg2: memref<3x256xbf16, #tpu.memory_space<vmem>>, %arg3: memref<4096x256xf32, #tpu.memory_space<vmem>>, %arg4: memref<1x1xi32, #tpu.memory_space<smem>>, %arg5: memref<1x1xf32, #tpu.memory_space<smem>>, %arg6: memref<1x1xi32, #tpu.memory_space<smem>>) attributes {dimension_semantics = [#tpu.dimension_semantics<arbitrary>], iteration_bounds = array<i64: 2>, scalar_prefetch = 0 : i64, scratch_operands = 2 : i64, tpu.core_type = #tpu.core_type<tc>, window_params = [{transform_indices = @transform_0, window_bounds = array<i64: 1, 1>}, {pipeline_mode = #tpu.pipeline_mode<synchronous>, transform_indices = @transform_1, window_bounds = array<i64: 3, 256>}, {transform_indices = @transform_2, window_bounds = array<i64: 4096, 256>}, {transform_indices = @transform_3, window_bounds = array<i64: 1, 1>}]} {
    %eq3A = arith.constant 0 : i32
    %eq3A_0 = arith.cmpi eq, %arg0, %eq3A : i32
    %convert_element_type3A = arith.extui %eq3A_0 : i1 to i32
    %cond3A = arith.constant 0 : i32
    %cond3A_1 = arith.cmpi ne, %convert_element_type3A, %cond3A : i32
    scf.if %cond3A_1 {
      %swap3A = arith.constant 0x7F800000 : f32
      %swap3A_40 = arith.constant 0 : index
      %swap3A_41 = arith.constant 0 : index
      %swap3A_42 = memref.load %arg5[%swap3A_40, %swap3A_41] : memref<1x1xf32, #tpu.memory_space<smem>>
      memref.store %swap3A, %arg5[%swap3A_40, %swap3A_41] : memref<1x1xf32, #tpu.memory_space<smem>>
      %swap3A_43 = arith.constant 0 : i32
      %swap3A_44 = arith.constant 0 : index
      %swap3A_45 = arith.constant 0 : index
      %swap3A_46 = memref.load %arg6[%swap3A_44, %swap3A_45] : memref<1x1xi32, #tpu.memory_space<smem>>
      memref.store %swap3A_43, %arg6[%swap3A_44, %swap3A_45] : memref<1x1xi32, #tpu.memory_space<smem>>
    } else {
    }
    %get3A = arith.constant 0 : index
    %get3A_2 = arith.constant 0 : index
    %get3A_3 = vector.load %arg3[%get3A, %get3A_2] : memref<4096x256xf32, #tpu.memory_space<vmem>>, vector<4096x256xf32>
    %get3A_4 = arith.constant 0 : index
    %get3A_5 = arith.constant 0 : index
    %get3A_6 = vector.load %arg2[%get3A_4, %get3A_5] : memref<3x256xbf16, #tpu.memory_space<vmem>>, vector<3x256xbf16>
    %get3A_7 = arith.constant 0 : index
    %get3A_8 = arith.constant 0 : index
    %get3A_9 = memref.load %arg1[%get3A_7, %get3A_8] : memref<1x1xf32, #tpu.memory_space<smem>>
    %convert_element_type3A_10 = arith.truncf %get3A_3 : vector<4096x256xf32> to vector<4096x256xbf16>
    %dot_general3A = arith.constant dense<0.000000e+00> : vector<3x4096xf32>
    %dot_general3A_11 = tpu.matmul %get3A_6, %convert_element_type3A_10, %dot_general3A {dimension_numbers = #tpu.dot_dimension_numbers<[1], [1], [0], [0], [0, 0, 1, 0], [], []>, transpose_lhs_hint = false} : vector<3x256xbf16>, vector<4096x256xbf16>, vector<3x4096xf32> -> vector<3x4096xf32>
    %slice3A = vector.extract_strided_slice %dot_general3A_11 {offsets = [0, 0], sizes = [1, 4096], strides = [1, 1]} : vector<3x4096xf32> to vector<1x4096xf32>
    %slice3A_12 = vector.extract_strided_slice %dot_general3A_11 {offsets = [1, 0], sizes = [1, 4096], strides = [1, 1]} : vector<3x4096xf32> to vector<1x4096xf32>
    %add3A = arith.addf %slice3A, %slice3A_12 : vector<1x4096xf32>
    %slice3A_13 = vector.extract_strided_slice %dot_general3A_11 {offsets = [2, 0], sizes = [1, 4096], strides = [1, 1]} : vector<3x4096xf32> to vector<1x4096xf32>
    %add3A_14 = arith.addf %add3A, %slice3A_13 : vector<1x4096xf32>
    %broadcast_in_dim3A = arith.constant 1.000000e+00 : bf16
    %broadcast_in_dim3A_15 = vector.broadcast %broadcast_in_dim3A : bf16 to vector<1x256xbf16>
    %mul3A = arith.mulf %convert_element_type3A_10, %convert_element_type3A_10 : vector<4096x256xbf16>
    %dot_general3A_16 = arith.constant dense<0.000000e+00> : vector<1x4096xf32>
    %dot_general3A_17 = tpu.matmul %broadcast_in_dim3A_15, %mul3A, %dot_general3A_16 {dimension_numbers = #tpu.dot_dimension_numbers<[1], [1], [0], [0], [0, 0, 1, 0], [], []>, transpose_lhs_hint = false} : vector<1x256xbf16>, vector<4096x256xbf16>, vector<1x4096xf32> -> vector<1x4096xf32>
    %add3A_18 = vector.broadcast %get3A_9 : f32 to vector<1x4096xf32>
    %add3A_19 = arith.addf %add3A_18, %dot_general3A_17 : vector<1x4096xf32>
    %mul3A_20 = arith.constant 2.000000e+00 : f32
    %mul3A_21 = vector.broadcast %mul3A_20 : f32 to vector<1x4096xf32>
    %mul3A_22 = arith.mulf %mul3A_21, %add3A_14 : vector<1x4096xf32>
    %sub3A = arith.subf %add3A_19, %mul3A_22 : vector<1x4096xf32>
    %reduce_min3A = vector.shape_cast %sub3A : vector<1x4096xf32> to vector<1x1x4096xf32>
    %reduce_min3A_23 = arith.constant dense<0x7F800000> : vector<1xf32>
    %reduce_min3A_24 = vector.multi_reduction <minimumf>, %reduce_min3A, %reduce_min3A_23 [1, 2] : vector<1x1x4096xf32> to vector<1xf32>
    %reduce_min3A_25 = vector.shape_cast %reduce_min3A_24 : vector<1xf32> to vector<1x1x1xf32>
    %reduce_min3A_26 = vector.extract %reduce_min3A_25[0, 0, 0] : f32 from vector<1x1x1xf32>
    %reshape3A = vector.shape_cast %sub3A : vector<1x4096xf32> to vector<4096xf32>
    %argmin3A = vector.shape_cast %reshape3A : vector<4096xf32> to vector<1x4096xf32>
    %argmin3A_27 = tpu.reduce_index %argmin3A {axis = 1 : i32, kind = #tpu.reduction_kind<arg_min>} : vector<1x4096xf32> -> vector<1xi32>
    %argmin3A_28 = vector.extract %argmin3A_27[0] : i32 from vector<1xi32>
    %get3A_29 = arith.constant 0 : index
    %get3A_30 = arith.constant 0 : index
    %get3A_31 = memref.load %arg5[%get3A_29, %get3A_30] : memref<1x1xf32, #tpu.memory_space<smem>>
    %lt3A = arith.cmpf olt, %reduce_min3A_26, %get3A_31 : f32
    %convert_element_type3A_32 = arith.extui %lt3A : i1 to i32
    %cond3A_33 = arith.constant 0 : i32
    %cond3A_34 = arith.cmpi ne, %convert_element_type3A_32, %cond3A_33 : i32
    scf.if %cond3A_34 {
      %swap3A = arith.constant 0 : index
      %swap3A_40 = arith.constant 0 : index
      %swap3A_41 = memref.load %arg5[%swap3A, %swap3A_40] : memref<1x1xf32, #tpu.memory_space<smem>>
      memref.store %reduce_min3A_26, %arg5[%swap3A, %swap3A_40] : memref<1x1xf32, #tpu.memory_space<smem>>
      %mul3A_42 = arith.constant 4096 : i32
      %mul3A_43 = arith.muli %arg0, %mul3A_42 : i32
      %add3A_44 = arith.addi %mul3A_43, %argmin3A_28 : i32
      %swap3A_45 = arith.constant 0 : index
      %swap3A_46 = arith.constant 0 : index
      %swap3A_47 = memref.load %arg6[%swap3A_45, %swap3A_46] : memref<1x1xi32, #tpu.memory_space<smem>>
      memref.store %add3A_44, %arg6[%swap3A_45, %swap3A_46] : memref<1x1xi32, #tpu.memory_space<smem>>
    } else {
    }
    %eq3A_35 = arith.constant 1 : i32
    %eq3A_36 = arith.cmpi eq, %arg0, %eq3A_35 : i32
    %convert_element_type3A_37 = arith.extui %eq3A_36 : i1 to i32
    %cond3A_38 = arith.constant 0 : i32
    %cond3A_39 = arith.cmpi ne, %convert_element_type3A_37, %cond3A_38 : i32
    scf.if %cond3A_39 {
      %get3A_40 = arith.constant 0 : index
      %get3A_41 = arith.constant 0 : index
      %get3A_42 = memref.load %arg6[%get3A_40, %get3A_41] : memref<1x1xi32, #tpu.memory_space<smem>>
      %swap3A = arith.constant 0 : index
      %swap3A_43 = arith.constant 0 : index
      %swap3A_44 = memref.load %arg4[%swap3A, %swap3A_43] : memref<1x1xi32, #tpu.memory_space<smem>>
      memref.store %get3A_42, %arg4[%swap3A, %swap3A_43] : memref<1x1xi32, #tpu.memory_space<smem>>
    } else {
    }
    return
  }
  func.func @transform_0(%arg0: i32) -> (i32, i32) {
    %c0_i32 = arith.constant 0 : i32
    %c0_i32_0 = arith.constant 0 : i32
    %c0_i32_1 = arith.constant 0 : i32
    return %c0_i32, %c0_i32_0 : i32, i32
  }
  func.func @transform_1(%arg0: i32) -> (i32, i32) {
    %c0_i32 = arith.constant 0 : i32
    %c0_i32_0 = arith.constant 0 : i32
    %c0_i32_1 = arith.constant 0 : i32
    return %c0_i32, %c0_i32_0 : i32, i32
  }
  func.func @transform_2(%arg0: i32) -> (i32, i32) {
    %c0_i32 = arith.constant 0 : i32
    %c0_i32_0 = arith.constant 0 : i32
    return %arg0, %c0_i32 : i32, i32
  }
  func.func @transform_3(%arg0: i32) -> (i32, i32) {
    %c0_i32 = arith.constant 0 : i32
    %c0_i32_0 = arith.constant 0 : i32
    %c0_i32_1 = arith.constant 0 : i32
    return %c0_i32, %c0_i32_0 : i32, i32
  }
}

</mosaic_0001>

<sc_bundles>
// kernel: kernel.4.cloned.1.call-start
scs
__scs_entry_jumppad:
0x0: {  	(pc) =	sbr.rel $0x88, $3  }
0x1: {  	(tag) =	ssettag $0x0;
	lr =	simm.s32 $0x1  }
0x2: {  	[smem:$0x3F9F] =	sst lr;
	_ =	strace $0xD0000000  }
0x3: {  	_ = 	snop  }
0x4: {  	_ = 	snop  }
0x5: {  	_ = 	snop  }
0x6: {  	_ = 	snop  }
0x7: {  	_ = 	snop  }
__scs_overlays_trampoline_lowered:
0x8: {  	[smem:$0x3FAE] =	sst s0  }
0x9: {  	[smem:$0x3FAF] =	sst s1  }
0xa: {  	[smem:$0x3FB0] =	sst s2  }
0xb: {  	[smem:$0x3FB1] =	sst s3  }
0xc: {  	[smem:$0x3FB2] =	sst s4  }
0xd: {  	[smem:$0x3FB3] =	sst s5  }
0xe: {  	[smem:$0x3FB4] =	sst s6  }
0xf: {  	[smem:$0x3FB5] =	sst s7  }
0x10: {  	[smem:$0x3FB6] =	sst s8  }
0x11: {  	[smem:$0x3FB7] =	sst s9;
	s0 =	simm.s32 @!p0 $0x0  }
0x12: {  	s1 =	sld [smem:$0x3F9D];
	s0 =	simm.s32 @p0 $0x1  }
0x13: {  	[smem:$0x3FB8] =	sst s0;
	s0 =	simm.s32 @!p1 $0x0  }
0x14: {  	s2 =	sld [smem:$0x3F9C];
	s0 =	simm.s32 @p1 $0x1  }
0x15: {  	[smem:$0x3FB9] =	sst s0;
	s0 =	simm.s32 @!p2 $0x0  }
0x16: {  	s3 =	sld [smem:$0x3FDB];
	s0 =	simm.s32 @p2 $0x1  }
0x17: {  	s4 =	simm.s32 $0x1BF5;
	[smem:$0x3FBB] =	sst s0  }
0x18: {  	s0 =	sld [smem:$0x3F9E];
	_ =	swait.ge [sflag:s4], $0x0  }
0x19: {  	s7 =	sld [smem:$0x3F9F]  }
0x1a: {  	s8 =	sadd.s32 $0xFFFFE003, lr  }
0x1b: {  	s9 =	sadd.s32 $0xFFFFFEF7, lr;
	s5 =	simm.s32 $0xFFFFFFFF;
	p2 =	slt.u32 s8, $0xFFFFF086  }
0x1c: {  	p1 =	slt.u32 s9, $0xF7A;
	s5 =	simm.s32 @!p2 $0x0  }
0x1d: {  	s5 =	simm.s32 @p1 $0x1;
	p0 =	seq.s32 s7, s2  }
0x1e: {  	s7 =	smul.u32 @!p0 $0xF7A, s2;
	p2 =	seq.s32 @!p0 s5, $0x0  }
0x1f: {  	s9 =	smul.u32 $0xF7A, s1;
	s8 =	simm.s32 @!p0 $0x1BF5;
	p2 =	por !p2, p0  }
0x20: {  	[sflag:s8] =	ssyncset.s32 @!p0 $0xFFFFF086;
	s6 =	sadd.s32 @!p0 s3, s7;
	s7 =	simm.s32 @!p0 $0x108  }
0x21: {  	s3 =	sadd.s32 s3, s9;
	s6 =	sadd.s32 @!p0 $0x88, s6;
	s7 =	simm.s32 @p2 $0x1082  }
0x22: {  	[simem:s7], [sflag:s8] =	dma.local @!p0 [hbm:s6], $0xF7A  }
0x23: {  	s9 =	sor.u32 $0xD0000000, s2;
	s6 =	simm.s32 $0x108;
	_ =	swait.ge @!p0 [sflag:s8], $0x0  }
0x24: {  	s3 =	sadd.s32 $0x88, s3;
	s6 =	simm.s32 @!p1 $0x1082;
	[sflag:s4] =	ssyncset.s32 $0xFFFFF086  }
0x25: {  	[simem:s6], [sflag:s4] =	dma.local [hbm:s3], $0xF7A  }
0x26: {  	[smem:$0x3F9F] =	sst s1;
	(tag) =	ssettag s2;
	_ =	strace s9  }
0x27: {  	s1 =	sld [smem:$0x3FAF]  }
0x28: {  	s2 =	sld [smem:$0x3FB0]  }
0x29: {  	s4 =	sld [smem:$0x3FB2]  }
0x2a: {  	p0 =	seq.s32 s5, $0x0;
	s5 =	sld [smem:$0x3FB3]  }
0x2b: {  	s6 =	sld [smem:$0x3FB4]  }
0x2c: {  	s7 =	sld [smem:$0x3FB5]  }
0x2d: {  	s3 =	simm.s32 $0x108;
	s8 =	sld [smem:$0x3FB6]  }
0x2e: {  	s3 =	simm.s32 @!p0 $0x1082;
	s9 =	sld [smem:$0x3FB7]  }
0x2f: {  	lr =	sadd.s32 s0, s3;
	s0 =	sld [smem:$0x3FAE]  }
0x30: {  	s3 =	sld [smem:$0x3FB1]  }
0x31: {  	[smem:$0x3FBA] =	sst s10  }
0x32: {  	s10 =	sld [smem:$0x3FB8];
	_ =	sdelay $0x3  }
0x33: {  	p0 =	seq.s32 s10, $0x1;
	s10 =	sld [smem:$0x3FBA];
	_ =	sdelay $0x3  }
0x34: {  	[smem:$0x3FBA] =	sst s10  }
0x35: {  	s10 =	sld [smem:$0x3FB9];
	_ =	sdelay $0x3  }
0x36: {  	p1 =	seq.s32 s10, $0x1;
	s10 =	sld [smem:$0x3FBA];
	_ =	sdelay $0x3  }
0x37: {  	[smem:$0x3FBA] =	sst s10  }
0x38: {  	s10 =	sld [smem:$0x3FBB]  }
0x39: {  	_ = 	snop;
	(pc) =	sbr.ind lr, $3  }
0x3a: {  	_ = 	snop  }
0x3b: {  	_ = 	snop  }
0x3c: {  	p2 =	seq.s32 s10, $0x1;
	s10 =	sld [smem:$0x3FBA]  }
0x3d: {  	_ =	shalt  }
0x3e: {  	_ =	shalt  }
0x3f: {  	_ =	shalt  }
0x40: {  	_ =	shalt  }
0x41: {  	_ =	shalt  }
0x42: {  	_ =	shalt  }
0x43: {  	_ =	shalt  }
0x44: {  	_ =	shalt  }
0x45: {  	_ =	shalt  }
0x46: {  	_ =	shalt  }
0x47: {  	_ =	shalt  }
0x48: {  	_ =	shalt  }
0x49: {  	_ =	shalt  }
0x4a: {  	_ =	shalt  }
0x4b: {  	_ =	shalt  }
0x4c: {  	_ =	shalt  }
0x4d: {  	_ =	shalt  }
0x4e: {  	_ =	shalt  }
0x4f: {  	_ =	shalt  }
0x50: {  	_ =	shalt  }
0x51: {  	_ =	shalt  }
0x52: {  	_ =	shalt  }
0x53: {  	_ =	shalt  }
0x54: {  	_ =	shalt  }
0x55: {  	_ =	shalt  }
0x56: {  	_ =	shalt  }
0x57: {  	_ =	shalt  }
0x58: {  	_ =	shalt  }
0x59: {  	_ =	shalt  }
0x5a: {  	_ =	shalt  }
0x5b: {  	_ =	shalt  }
0x5c: {  	_ =	shalt  }
0x5d: {  	_ =	shalt  }
0x5e: {  	_ =	shalt  }
0x5f: {  	_ =	shalt  }
0x60: {  	_ =	shalt  }
0x61: {  	_ =	shalt  }
0x62: {  	_ =	shalt  }
0x63: {  	_ =	shalt  }
0x64: {  	_ =	shalt  }
0x65: {  	_ =	shalt  }
0x66: {  	_ =	shalt  }
0x67: {  	_ =	shalt  }
0x68: {  	_ =	shalt  }
0x69: {  	_ =	shalt  }
0x6a: {  	_ =	shalt  }
0x6b: {  	_ =	shalt  }
0x6c: {  	_ =	shalt  }
0x6d: {  	_ =	shalt  }
0x6e: {  	_ =	shalt  }
0x6f: {  	_ =	shalt  }
0x70: {  	_ =	shalt  }
0x71: {  	_ =	shalt  }
0x72: {  	_ =	shalt  }
0x73: {  	_ =	shalt  }
0x74: {  	_ =	shalt  }
0x75: {  	_ =	shalt  }
0x76: {  	_ =	shalt  }
0x77: {  	_ =	shalt  }
0x78: {  	_ =	shalt  }
0x79: {  	_ =	shalt  }
0x7a: {  	_ =	shalt  }
0x7b: {  	_ =	shalt  }
0x7c: {  	_ =	shalt  }
0x7d: {  	_ =	shalt  }
0x7e: {  	_ =	shalt  }
0x7f: {  	_ =	shalt  }
0x80: {  	_ =	shalt  }
0x81: {  	_ =	shalt  }
0x82: {  	_ =	shalt  }
0x83: {  	_ =	shalt  }
0x84: {  	_ =	shalt  }
0x85: {  	_ =	shalt  }
0x86: {  	_ =	shalt  }
0x87: {  	_ =	shalt  }
.Lfunc_end0:
.L_simem_size_0:
called_computation_lowered:
.L_overlay_start_0:
0x88: {  	s2 =	sld [smem:$0x3FD9]  }
0x89: {  	s3 =	sld [smem:$0x3FFE];
	_ =	sdelay $0x1  }
0x8a: {  	s1 =	srdreg.scid  }
0x8b: {  	s0 =	sand.u32 $0x1, s1  }
0x8c: {  	s14 =	sshll.u32 s0, $0xA;
	s2 =	sadd.s32 s3, s2  }
0x8d: {  	s2 =	sadd.s32 s2, s14  }
0x8e: {  	[smem:$0x3FC6] =	sst s2  }
0x8f: {  	_ = 	snop  }
0x90: {  	s2 =	sld [smem:$0x3FD0];
	_ =	sdelay $0x2  }
0x91: {  	s4 =	simm.s32 $0xA;
	s5 =	simm.s32 $0x10;
	s15 =	sld [smem:$0x3FC9]  }
0x92: {  	[smem:s5], [sflag:s4] =	dma.local [hbm:s2], $0x1  }
0x93: {  	_ =	swait.eq [sflag:s4], $0x1  }
0x94: {  	[sflag:s4] =	ssyncset.done $0x0  }
0x95: {  	s16 =	sld [smem:$0x10];
	[sflag:s4] =	ssyncadd.s32 $0xFFFFFFFF  }
0x96: {  	s17 =	sld [smem:$0x12];
	(tm) =	ssettm $0x1  }
0x97: {  	s18 =	sld [smem:$0x3FFB];
	_ =	sdelay $0x3  }
0x98: {  	_ =	strace s18  }
0x99: {  	s5 =	sld [smem:$0x3FFC];
	_ =	sdelay $0x3  }
0x9a: {  	_ =	strace s5  }
0x9b: {  	s5 =	sld [smem:$0x3FFD];
	_ =	sdelay $0x3  }
0x9c: {  	_ =	strace s5  }
0x9d: {  	_ =	strace $0x8FFFFFFF  }
0x9e: {  	s19 =	sld [smem:$0x3FDB];
	_ =	sdelay $0x1  }
0x9f: {  	s6 =	simm.s32 $_scs_section_size  }
0xa0: {  	s7 =	simm.s32 $_size__tile_overlayer_lowered;
	s8 =	simm.s32 $_tile_overlayer_lowered  }
0xa1: {  	s22 =	simm.s32 $0x1BFF;
	s21 =	sshll.u32 s8, $0x1;
	s5 =	sadd.s32 s6, s19  }
0xa2: {  	s9 =	simm.s32 $0x0;
	s20 =	sshll.u32 s7, $0x1;
	s7 =	sadd.s32 s21, s5  }
0xa3: {  	[timem:s9], [sflag:s22] =	dma.local [hbm:s7], s20  }
0xa4: {  	_ =	swait.ge [sflag:s22], s20  }
0xa5: {  	s6 =	ssub.s32 $0x0, s20;
	[sflag:s22] =	ssyncset.done $0x0  }
0xa6: {  	[sflag:s22] =	ssyncadd.s32 s6;
	_ =	sdelay $0x1  }
0xa7: {  	s23 =	simm.s32 $0x1B8B  }
0xa8: {  	_ =	swait.ge [sflag:s23], $0x1  }
0xa9: {  	[sflag:s23] =	ssyncset.done $0x0  }
0xaa: {  	s25 =	simm.s32 $0x1B8E;
	s24 =	sld [smem:$0x3FFE];
	[sflag:s23] =	ssyncadd.s32 $0xFFFFFFFF  }
0xab: {  	s26 =	simm.s32 $execute0_lowered;
	[smem:$0x3FD2] =	sst s25  }
0xac: {  	s7 =	sshll.u32 s26, $0x1;
	_ =	strace $0x80000046;
	[dreg:$0x1] =	wrdreg $0xFFFFFFFF  }
0xad: {  	s28 =	simm.s32 $_size_execute0_lowered;
	s5 =	sadd.s32 s5, s7;
	[dreg:$0x0] =	wrdreg $0x0  }
0xae: {  	s7 =	sshll.u32 s28, $0x1;
	[dreg:$0x2] =	wrdreg s5  }
0xaf: {  	[dreg:$0x3] =	wrdreg s7  }
0xb0: {  	[dreg:$0x4] =	wrdreg $0xC0  }
0xb1: {  	_ =	task [dreg:s9], $0x5FFFF  }
0xb2: {  	[dreg:$0x1] =	wrdreg $0xFFFFFFFF  }
0xb3: {  	[dreg:$0x0] =	wrdreg $0x60  }
0xb4: {  	[dreg:$0x2] =	wrdreg s24  }
0xb5: {  	[dreg:$0x3] =	wrdreg s15  }
0xb6: {  	[dreg:$0x4] =	wrdreg s16  }
0xb7: {  	[dreg:$0x5] =	wrdreg s17  }
0xb8: {  	[dreg:$0x6] =	wrdreg $0x9  }
0xb9: {  	_ =	task.clear_ibuf [dreg:s9], $0x7FFFF;
	_ =	strace $0x90000046  }
0xba: {  	s29 =	simm.s32 $0x9;
	_ =	strace $0x80000048  }
0xbb: {  	_ =	swait.ge [sflag:s29], $0x1  }
0xbc: {  	[sflag:s29] =	ssyncadd.s32 $0xFFFFFFFF  }
0xbd: {  	_ =	strace $0x90000048  }
0xbe: {  	_ =	sfence  }
0xbf: {  	s30 =	sld [smem:$0x0];
	_ =	sdelay $0x2  }
0xc0: {  	s31 =	sshll.u32 s1, $0xD;
	s1 =	sshrl.u32 s1, $0x2  }
0xc1: {  	s3 =	sand.u32 $0x4000, s31;
	s1 =	sadd.s32 s1, s30  }
0xc2: {  	s0 =	sor.u32 s3, s0;
	s1 =	sshll.u32 s1, $0x11  }
0xc3: {  	s0 =	sor.u32 s1, s0  }
0xc4: {  	s0 =	sadd.s32 $0x8F2B, s0  }
0xc5: {  	[sflag:s0] =	ssyncadd.remote.s32 $0x1  }
0xc6: {  	_ =	sfence.sel $0xFFFF  }
0xc7: {  	[dreg:$0x0] =	wrdreg $0xFFFFFFFF;
	(pc) =	sbr.abs _section_cstart, $3  }
0xc8: {  	[dreg:$0x1] =	wrdreg $0xFFFFFFFF  }
0xc9: {  	_ =	task.clear_ibuf [dreg:s9], $0x2FFFF;
	_ =	strace $0x9FFFFFFF  }
0xca: {  	(tm) =	ssettm $0x7FFFFFFF  }
0xcb: {  	_ =	shalt  }
tec
execute0_lowered:
.L_overlay_start_1:
0x0: {  	(tag) =	ssettag $0x1  }
0x1: {  	s0 =	srdreg.scid  }
0x2: {  	s1 =	stileid.u32;
	s11 =	sand.u32 $0x1, s0  }
0x3: {  	s4 =	sor.u32 s1, s11  }
0x4: {  	s9 =	rddreg [dreg:$0x0];
	p0 =	sne.s32 s4, $0x0  }
.Ltmp0:
0x5: {  	s6 =	rddreg [dreg:$0x1];
	(pc) =	sbr.rel @p0 .LBB2_4-.Ltmp0, $4  }
0x6: {  	s5 =	rddreg [dreg:$0x2]  }
0x7: {  	s2 =	rddreg [dreg:$0x3];
	s3 =	simm.s32 $0x0  }
0x8: {  	[smem:$0x7FF] =	sst s3  }
0x9: {  	s0 =	rddreg [dreg:$0x4];
	_ =	strace $0x80000047  }
0xa: {  	s7 =	sadd.s32 $0x40800, s9;
	s4 =	simm.s32 $0x1  }
0xb: {  	[tilespmem:s3], [sflag:$0x1] =	stream.linear.gather [hbm4b:s7+s3], $0x80, $0x38;
	[tilespmem:$0x400] =	vst v63  }
0xc: {  	_ =	swait.ge [sflag:s4], $0x80  }
0xd: {  	[sflag:s4] =	ssyncset.done $0x0  }
0xe: {  	[sflag:s4] =	ssyncadd.s32 $0xFFFFFF80  }
0xf: {  	v0 =	vld [tilespmem:$0x0];
	_ =	sdelay $0x1  }
0x10: {  	s8 =	simm.s32 $0x80  }
0x11: {  	[tilespmem:s8], [sflag:$0x1] =	stream.linear.gather [hbm4b:s6+s3], $0x100, $0x38;
	[tilespmem:$0x400] =	vst v63  }
0x12: {  	_ =	swait.ge [sflag:s4], $0x100  }
0x13: {  	(v2sf) =	vpush v0, $0x0;
	_ =	sdelay $0xe  }
0x14: {  	s10 =	spop (v2sf)  }
0x15: {  	s10 =	sshll.u32 s10, $0x5  }
0x16: {  	s9 =	sadd.s32 $0x800, s9;
	[sflag:s4] =	ssyncset.done $0x0;
	s12 =	sand.u32 $0x1FFFFFE0, s10  }
0x17: {  	[sflag:s4] =	ssyncadd.s32 $0xFFFFFF00;
	s10 =	simm.s32 $0x180;
	s12 =	sadd.s32 s9, s12  }
0x18: {  	[tilespmem:s10], [sflag:$0x1] =	stream.linear.gather [hbm4b:s12+s3], $0x100, $0x38;
	[tilespmem:$0x400] =	vst v63  }
0x19: {  	_ =	swait.ge [sflag:s4], $0x100  }
0x1a: {  	[sflag:s4] =	ssyncset.done $0x0  }
0x1b: {  	[sflag:s4] =	ssyncadd.s32 $0xFFFFFF00  }
0x1c: {  	v0 =	vld [tilespmem:$0x140]  }
0x1d: {  	v1 =	vld [tilespmem:$0x240]  }
0x1e: {  	v2 =	vld [tilespmem:$0x90]  }
0x1f: {  	v3 =	vld [tilespmem:$0x180]  }
0x20: {  	v4 =	vld [tilespmem:$0x80]  }
0x21: {  	v5 =	vld [tilespmem:$0x190]  }
0x22: {  	v6 =	vld [tilespmem:$0x1A0]  }
0x23: {  	v7 =	vld [tilespmem:$0xA0]  }
0x24: {  	v8 =	vld [tilespmem:$0x1B0]  }
0x25: {  	v9 =	vld [tilespmem:$0xB0]  }
0x26: {  	v10 =	vld [tilespmem:$0x1C0]  }
0x27: {  	v11 =	vld [tilespmem:$0xC0];
	v3 =	vsub.f32 v3, v4;
	v5 =	vsub.f32 v5, v2  }
0x28: {  	v14 =	vld [tilespmem:$0x1D0]  }
0x29: {  	v15 =	vld [tilespmem:$0xD0];
	v6 =	vsub.f32 v6, v7;
	v12 =	vmul.f32 v3, v3;
	v13 =	vmul.f32 v5, v5  }
0x2a: {  	v16 =	vld [tilespmem:$0x1E0]  }
0x2b: {  	v17 =	vld [tilespmem:$0xE0];
	v8 =	vsub.f32 v8, v9;
	v48 =	vmul.f32 v6, v6;
	v12 =	vadd.f32 v13, v12  }
0x2c: {  	v18 =	vld [tilespmem:$0x1F0]  }
0x2d: {  	v19 =	vld [tilespmem:$0xF0];
	v10 =	vsub.f32 v10, v11;
	v49 =	vmul.f32 v8, v8;
	v12 =	vadd.f32 v48, v12  }
0x2e: {  	v20 =	vld [tilespmem:$0x200];
	v14 =	vsub.f32 v14, v15  }
0x2f: {  	v21 =	vld [tilespmem:$0x100];
	v1 =	vsub.f32 v1, v0;
	v50 =	vmul.f32 v10, v10;
	v12 =	vadd.f32 v49, v12  }
0x30: {  	v16 =	vsub.f32 v16, v17  }
0x31: {  	v22 =	vld [tilespmem:$0x210];
	v51 =	vmul.f32 v14, v14;
	v0 =	vadd.f32 v1, v0;
	v12 =	vadd.f32 v50, v12  }
0x32: {  	v23 =	vld [tilespmem:$0x110];
	v18 =	vsub.f32 v18, v19;
	v3 =	vadd.f32 v3, v4  }
0x33: {  	v24 =	vld [tilespmem:$0x220];
	v52 =	vmul.f32 v16, v16;
	v2 =	vadd.f32 v5, v2;
	[tilespmem:$0x340] =	vst v0;
	v12 =	vadd.f32 v51, v12  }
0x34: {  	v53 =	vsub.f32 v20, v21;
	v4 =	vld [tilespmem:$0x120];
	[tilespmem:$0x280] =	vst v3;
	v3 =	vadd.f32 v6, v7  }
0x35: {  	v54 =	vld [tilespmem:$0x230];
	v5 =	vmul.f32 v18, v18;
	v6 =	vadd.f32 v8, v9;
	[tilespmem:$0x290] =	vst v2;
	v0 =	vadd.f32 v52, v12  }
0x36: {  	v7 =	vld [tilespmem:$0x130];
	[tilespmem:$0x2A0] =	vst v3;
	v3 =	vadd.f32 v10, v11  }
0x37: {  	v56 =	vld [tilespmem:$0x250];
	v2 =	vmul.f32 v53, v53;
	[tilespmem:$0x2B0] =	vst v6;
	v0 =	vadd.f32 v5, v0;
	v5 =	vsub.f32 v22, v23  }
0x38: {  	v6 =	vld [tilespmem:$0x150];
	[tilespmem:$0x2C0] =	vst v3;
	v3 =	vadd.f32 v16, v17  }
0x39: {  	v57 =	vsub.f32 v24, v4;
	v0 =	vadd.f32 v2, v0;
	v2 =	vmul.f32 v5, v5  }
0x3a: {  	s11 =	ssub.s32 $0x2, s11;
	v59 =	vld [tilespmem:$0x260];
	v55 =	vadd.f32 v14, v15;
	[tilespmem:$0x2E0] =	vst v3;
	v3 =	vadd.f32 v53, v21  }
0x3b: {  	s31 =	sshrl.u32 s11, $0x1;
	v60 =	vld [tilespmem:$0x160];
	v61 =	vmul.f32 v57, v57;
	v13 =	vsub.f32 v54, v7;
	v2 =	vadd.f32 v2, v0  }
0x3c: {  	s13 =	ssub.s32 s11, s31;
	v62 =	vld [tilespmem:$0x270];
	v58 =	vadd.f32 v18, v19;
	[tilespmem:$0x300] =	vst v3;
	v3 =	vadd.f32 v57, v4  }
0x3d: {  	p0 =	sne.s32 s13, $0x1;
	[tilespmem:$0x2D0] =	vst v55;
	v63 =	vmul.f32 v13, v13;
	v4 =	vsub.f32 v56, v6;
	v0 =	vld [tilespmem:$0x170];
	v2 =	vadd.f32 v61, v2  }
.Ltmp1:
0x3e: {  	[tilespmem:$0x2F0] =	vst v58;
	v5 =	vadd.f32 v5, v23;
	(pc) =	sbr.rel @!p0 .LBB2_3-.Ltmp1, $4  }
0x3f: {  	v1 =	vmul.f32 v1, v1;
	[tilespmem:$0x320] =	vst v3;
	v6 =	vadd.f32 v4, v6;
	v2 =	vadd.f32 v63, v2  }
0x40: {  	[tilespmem:$0x310] =	vst v5;
	v5 =	vadd.f32 v13, v7;
	v7 =	vsub.f32 v59, v60  }
0x41: {  	v3 =	vmul.f32 v4, v4;
	[tilespmem:$0x350] =	vst v6;
	v2 =	vadd.f32 v1, v2  }
0x42: {  	s11 =	simm.s32 $0x380;
	s13 =	sadd.s32 $0xFFFFFFFF, s13;
	s12 =	simm.s32 $0x280;
	[tilespmem:$0x330] =	vst v5;
	v5 =	vadd.f32 v7, v60;
	v4 =	vsub.f32 v62, v0;
	v1 =	vmul.f32 v7, v7  }
.LBB2_2:
0x43: {  	p0 =	sne.s32 s13, $0x1;
	s13 =	sadd.s32 $0xFFFFFFFF, s13;
	v2 =	vadd.f32 v3, v2  }
0x44: {  	[tilespmem:$0x360] =	vst v5;
	v0 =	vadd.f32 v4, v0  }
0x45: {  	v1 =	vadd.f32 v1, v2;
	v2 =	vmul.f32 v4, v4  }
0x46: {  	[tilespmem:$0x370] =	vst v0  }
0x47: {  	v0 =	vadd.f32 v2, v1;
	[hbm4b:s5+s3] =	stream.linear.scatter [tilespmem:s12], [sflag:$0x1], $0x100, $0x38;
	[tilespmem:$0x400] =	vst v63  }
0x48: {  	_ =	swait.ge [sflag:s4], $0x100  }
0x49: {  	(xrf2) =	vadd.scan.msk.f32 $0xffff, v0;
	_ =	sdelay $0x9  }
0x4a: {  	v0, _, _ =	vpop (xrf2)  }
0x4b: {  	(v2sf) =	vpush v0, $0xF;
	_ =	sdelay $0xe  }
0x4c: {  	s14 =	spop (v2sf)  }
0x4d: {  	s15 =	smul.f32 $3.906250000e-03, s14  }
0x4e: {  	s14 =	smul.f32 $-9.765625000e-04, s14;
	_ =	sdelay $0x1  }
0x4f: {  	s14 =	sadd.f32 s14, s15  }
0x50: {  	[sflag:s4] =	ssyncset.done $0x0  }
0x51: {  	v0 =	vmov s14;
	[sflag:s4] =	ssyncadd.s32 $0xFFFFFF00  }
0x52: {  	[tilespmem:$0x380] =	vst v0  }
0x53: {  	[hbm4b:s2+s3] =	stream.linear.scatter [tilespmem:s11], [sflag:$0x1], $0x80, $0x38;
	[tilespmem:$0x400] =	vst v63  }
0x54: {  	_ =	swait.ge [sflag:s4], $0x80  }
0x55: {  	[sflag:s4] =	ssyncset.done $0x0  }
0x56: {  	[sflag:s4] =	ssyncadd.s32 $0xFFFFFF80  }
0x57: {  	[tilespmem:s3], [sflag:$0x1] =	stream.linear.gather [hbm4b:s7+s3], $0x80, $0x38;
	[tilespmem:$0x400] =	vst v63  }
0x58: {  	_ =	swait.ge [sflag:s4], $0x80  }
0x59: {  	[sflag:s4] =	ssyncset.done $0x0  }
0x5a: {  	[sflag:s4] =	ssyncadd.s32 $0xFFFFFF80  }
0x5b: {  	v0 =	vld [tilespmem:$0x0]  }
0x5c: {  	[tilespmem:s8], [sflag:$0x1] =	stream.linear.gather [hbm4b:s6+s3], $0x100, $0x38;
	[tilespmem:$0x400] =	vst v63  }
0x5d: {  	_ =	swait.ge [sflag:s4], $0x100;
	_ =	sdelay $0x2  }
0x5e: {  	(v2sf) =	vpush v0, $0x0;
	_ =	sdelay $0xe  }
0x5f: {  	s14 =	spop (v2sf)  }
0x60: {  	s14 =	sshll.u32 s14, $0x5  }
0x61: {  	[sflag:s4] =	ssyncset.done $0x0;
	s14 =	sand.u32 $0x1FFFFFE0, s14  }
0x62: {  	[sflag:s4] =	ssyncadd.s32 $0xFFFFFF00;
	s14 =	sadd.s32 s9, s14  }
0x63: {  	[tilespmem:s10], [sflag:$0x1] =	stream.linear.gather [hbm4b:s14+s3], $0x100, $0x38;
	[tilespmem:$0x400] =	vst v63  }
0x64: {  	_ =	swait.ge [sflag:s4], $0x100  }
0x65: {  	[sflag:s4] =	ssyncset.done $0x0  }
0x66: {  	[sflag:s4] =	ssyncadd.s32 $0xFFFFFF00  }
0x67: {  	v0 =	vld [tilespmem:$0x140]  }
0x68: {  	v1 =	vld [tilespmem:$0x240]  }
0x69: {  	v2 =	vld [tilespmem:$0x90]  }
0x6a: {  	v3 =	vld [tilespmem:$0x180]  }
0x6b: {  	v4 =	vld [tilespmem:$0x80]  }
0x6c: {  	v5 =	vld [tilespmem:$0x190]  }
0x6d: {  	v6 =	vld [tilespmem:$0x1A0]  }
0x6e: {  	v7 =	vld [tilespmem:$0xA0]  }
0x6f: {  	v1 =	vsub.f32 v1, v0;
	v8 =	vld [tilespmem:$0x1B0]  }
0x70: {  	v3 =	vsub.f32 v3, v4;
	v9 =	vld [tilespmem:$0xB0]  }
0x71: {  	v0 =	vadd.f32 v1, v0;
	v5 =	vsub.f32 v5, v2;
	v10 =	vld [tilespmem:$0x1C0]  }
0x72: {  	v4 =	vadd.f32 v3, v4;
	v11 =	vld [tilespmem:$0xC0]  }
0x73: {  	v3 =	vmul.f32 v3, v3;
	v12 =	vmul.f32 v5, v5;
	v6 =	vsub.f32 v6, v7;
	v13 =	vld [tilespmem:$0x1D0];
	[tilespmem:$0x340] =	vst v0  }
0x74: {  	v0 =	vadd.f32 v5, v2;
	[tilespmem:$0x280] =	vst v4;
	v2 =	vld [tilespmem:$0xD0]  }
0x75: {  	v3 =	vadd.f32 v12, v3;
	v4 =	vmul.f32 v6, v6;
	v5 =	vsub.f32 v8, v9;
	v8 =	vld [tilespmem:$0x1E0]  }
0x76: {  	[tilespmem:$0x290] =	vst v0;
	v0 =	vadd.f32 v6, v7;
	v6 =	vld [tilespmem:$0xE0]  }
0x77: {  	v3 =	vadd.f32 v4, v3;
	v4 =	vmul.f32 v5, v5;
	v7 =	vsub.f32 v10, v11;
	v10 =	vld [tilespmem:$0x1F0]  }
0x78: {  	[tilespmem:$0x2A0] =	vst v0;
	v0 =	vadd.f32 v5, v9;
	v5 =	vld [tilespmem:$0xF0]  }
0x79: {  	v3 =	vadd.f32 v4, v3;
	v4 =	vmul.f32 v7, v7;
	v9 =	vsub.f32 v13, v2;
	v12 =	vld [tilespmem:$0x200]  }
0x7a: {  	[tilespmem:$0x2B0] =	vst v0;
	v0 =	vadd.f32 v7, v11;
	v7 =	vld [tilespmem:$0x100]  }
0x7b: {  	v3 =	vadd.f32 v4, v3;
	v4 =	vmul.f32 v9, v9;
	v8 =	vsub.f32 v8, v6;
	v11 =	vld [tilespmem:$0x210]  }
0x7c: {  	[tilespmem:$0x2C0] =	vst v0;
	v0 =	vadd.f32 v9, v2;
	v2 =	vld [tilespmem:$0x110]  }
0x7d: {  	v3 =	vadd.f32 v4, v3;
	v4 =	vmul.f32 v8, v8;
	v9 =	vsub.f32 v10, v5;
	v10 =	vld [tilespmem:$0x220]  }
0x7e: {  	[tilespmem:$0x2D0] =	vst v0;
	v0 =	vadd.f32 v8, v6;
	v6 =	vld [tilespmem:$0x120]  }
0x7f: {  	v3 =	vadd.f32 v4, v3;
	v4 =	vmul.f32 v9, v9;
	v8 =	vsub.f32 v12, v7;
	v12 =	vld [tilespmem:$0x230]  }
0x80: {  	[tilespmem:$0x2E0] =	vst v0;
	v0 =	vadd.f32 v9, v5;
	v5 =	vld [tilespmem:$0x130]  }
0x81: {  	v3 =	vadd.f32 v4, v3;
	v4 =	vmul.f32 v8, v8;
	v9 =	vsub.f32 v11, v2;
	v11 =	vld [tilespmem:$0x250]  }
0x82: {  	[tilespmem:$0x2F0] =	vst v0;
	v0 =	vadd.f32 v8, v7;
	v7 =	vld [tilespmem:$0x150]  }
0x83: {  	v3 =	vadd.f32 v4, v3;
	v4 =	vmul.f32 v9, v9;
	v8 =	vsub.f32 v10, v6;
	v10 =	vld [tilespmem:$0x260]  }
0x84: {  	[tilespmem:$0x300] =	vst v0;
	v0 =	vadd.f32 v9, v2;
	v9 =	vld [tilespmem:$0x160]  }
0x85: {  	v2 =	vadd.f32 v4, v3;
	v3 =	vmul.f32 v8, v8;
	v4 =	vsub.f32 v12, v5;
	v12 =	vld [tilespmem:$0x270]  }
0x86: {  	v6 =	vadd.f32 v8, v6;
	[tilespmem:$0x310] =	vst v0;
	v0 =	vld [tilespmem:$0x170]  }
0x87: {  	v2 =	vadd.f32 v3, v2;
	v3 =	vmul.f32 v4, v4;
	v8 =	vsub.f32 v11, v7  }
.Ltmp2:
0x88: {  	v4 =	vadd.f32 v4, v5;
	[tilespmem:$0x320] =	vst v6;
	(pc) =	sbr.rel @p0 .LBB2_2-.Ltmp2, $4  }
0x89: {  	v1 =	vmul.f32 v1, v1;
	v2 =	vadd.f32 v3, v2;
	v5 =	vsub.f32 v10, v9  }
0x8a: {  	[tilespmem:$0x330] =	vst v4;
	v4 =	vadd.f32 v8, v7  }
0x8b: {  	v3 =	vmul.f32 v8, v8;
	v2 =	vadd.f32 v1, v2;
	v1 =	vmul.f32 v5, v5  }
0x8c: {  	v5 =	vadd.f32 v5, v9;
	[tilespmem:$0x350] =	vst v4;
	v4 =	vsub.f32 v12, v0  }
.LBB2_3:
0x8d: {  	v2 =	vadd.f32 v3, v2  }
0x8e: {  	v0 =	vadd.f32 v4, v0  }
0x8f: {  	[tilespmem:$0x360] =	vst v5;
	v61 =	vmul.f32 v4, v4;
	v1 =	vadd.f32 v1, v2  }
0x90: {  	[tilespmem:$0x370] =	vst v0  }
0x91: {  	v62 =	vadd.f32 v61, v1;
	[hbm4b:s5+s3] =	stream.linear.scatter [tilespmem:s12], [sflag:$0x1], $0x100, $0x38;
	[tilespmem:$0x400] =	vst v63  }
0x92: {  	_ =	swait.ge [sflag:s4], $0x100  }
0x93: {  	(xrf2) =	vadd.scan.msk.f32 $0xffff, v62;
	_ =	sdelay $0x9  }
0x94: {  	v0, _, _ =	vpop (xrf2)  }
0x95: {  	(v2sf) =	vpush v0, $0xF;
	_ =	sdelay $0xe  }
0x96: {  	s31 =	spop (v2sf)  }
0x97: {  	s6 =	smul.f32 $3.906250000e-03, s31  }
0x98: {  	s5 =	smul.f32 $-9.765625000e-04, s31;
	_ =	sdelay $0x1  }
0x99: {  	s5 =	sadd.f32 s5, s6  }
0x9a: {  	[sflag:s4] =	ssyncset.done $0x0  }
0x9b: {  	[sflag:s4] =	ssyncadd.s32 $0xFFFFFF00;
	v63 =	vmov s5  }
0x9c: {  	[tilespmem:$0x380] =	vst v63  }
0x9d: {  	[hbm4b:s2+s3] =	stream.linear.scatter [tilespmem:s11], [sflag:$0x1], $0x80, $0x38;
	[tilespmem:$0x400] =	vst v63  }
0x9e: {  	_ =	swait.ge [sflag:s4], $0x80  }
0x9f: {  	[sflag:s4] =	ssyncset.done $0x0  }
0xa0: {  	[sflag:s4] =	ssyncadd.s32 $0xFFFFFF80  }
.LBB2_4:
0xa1: {  	_ =	sfence.sel $0x180000  }
0xa2: {  	[bflag:$0x0] =	sbarrier.arrive $0xFFFF  }
0xa3: {  	p0 =	sne.s32 s1, $0x0;
	_ =	strace $0x90000047  }
0xa4: {  	s0 =	sadd.s32 @!p0 $0x100000, s0;
	[bflag:$0x2] =	sbarrier.arrive $0xFFFF  }
0xa5: {  	[sflag:s0] =	ssyncadd.tile.s32 @!p0 $0x1;
	_ =	shalt  }
.Lfunc_end2:
_tile_overlayer_lowered:
.L_overlay_start_2:
0xa6: {  	(tag) =	ssettag $0x2  }
0xa7: {  	s0 =	rddreg [dreg:$0x0];
	s2 =	stileid.u32  }
0xa8: {  	s1 =	rddreg [dreg:$0x1];
	p0 =	sne.s32 s2, $0x0  }
0xa9: {  	s3 =	rddreg [dreg:$0x2];
	[bflag:$0x3] =	sbarrier.arrive $0xFFFF;
	s2 =	simm.s32 @!p0 $0x1C01  }
0xaa: {  	[timem:s3], [sflag:s2] =	dma.local @!p0 [hbm:s0], s1  }
0xab: {  	s0 =	simm.s32 @!p0 $0x1  }
0xac: {  	_ =	swait.ge @!p0 [sflag:s0], s1  }
0xad: {  	s1 =	ssub.s32 @!p0 $0x0, s1;
	[sflag:s0] =	ssyncset.done @!p0 $0x0  }
0xae: {  	[sflag:s0] =	ssyncadd.s32 @!p0 s1  }
0xaf: {  	[bflag:$0x3] =	sbarrier.arrive $0xFFFF  }
0xb0: {  	_ =	shalt  }

</sc_bundles>
